<compile_context>
chip_gen: v7x
topology: tpu7x:2x2x1
jax: 0.10.2.dev20260603
libtpu: 0.0.44.dev20260713+nightly
codegen_flags: <defaults>
</compile_context>

<pallas_src>
import jax
import jax.numpy as jnp
from jax.experimental import pallas as pl
from jax.experimental.pallas import tpu as pltpu
from jax.experimental.pallas import tpu_sc as plsc

NUM_CORES = 2
NUM_SUBCORES = 16
NUM_WORKERS = NUM_CORES * NUM_SUBCORES
CHUNK = 128
PACK_BLK = 10000


def _pack_body(u_ref, i_ref, out_ref):
    out_ref[:, : u_ref.shape[1]] = u_ref[...]
    out_ref[:, u_ref.shape[1]:] = i_ref[...]


def _pack_tables(user_table, item_table):
    n, H = user_table.shape
    return pl.pallas_call(
        _pack_body,
        grid=(n // PACK_BLK,),
        in_specs=[
            pl.BlockSpec((PACK_BLK, H), lambda i: (i, 0)),
            pl.BlockSpec((PACK_BLK, H), lambda i: (i, 0)),
        ],
        out_specs=pl.BlockSpec((PACK_BLK, 2 * H), lambda i: (i, 0)),
        out_shape=jax.ShapeDtypeStruct((n, 2 * H), jnp.float32),
    )(user_table, item_table)


def _sc_gather(packed, ids):
    n, W = packed.shape
    NB = ids.shape[0]
    per_w = NB // NUM_WORKERS
    mesh = plsc.VectorSubcoreMesh(core_axis_name="c", subcore_axis_name="s")

    @pl.kernel(
        out_type=jax.ShapeDtypeStruct((NB, W), jnp.float32),
        mesh=mesh,
        scratch_types=[
            pltpu.VMEM((per_w,), jnp.int32),
            pltpu.VMEM((CHUNK, W), jnp.float32),
            pltpu.VMEM((CHUNK, W), jnp.float32),
            pltpu.SemaphoreType.DMA,
            pltpu.SemaphoreType.DMA,
        ],
    )
    def gather_kernel(tab_hbm, ids_hbm, out_hbm, idx_v, rows_a, rows_b, sem_a, sem_b):
        wid = jax.lax.axis_index("s") * NUM_CORES + jax.lax.axis_index("c")
        base = wid * per_w
        pltpu.sync_copy(ids_hbm.at[pl.ds(base, per_w)], idx_v)

        pltpu.async_copy(tab_hbm.at[idx_v.at[pl.ds(0, CHUNK)]], rows_a, sem_a).wait()

        @pl.loop(0, per_w // CHUNK // 2)
        def _(h):
            g = h * 2
            wr_a = pltpu.async_copy(rows_a, out_hbm.at[pl.ds(base + g * CHUNK, CHUNK)], sem_a)
            gt_b = pltpu.async_copy(
                tab_hbm.at[idx_v.at[pl.ds((g + 1) * CHUNK, CHUNK)]], rows_b, sem_b)
            wr_a.wait()
            gt_b.wait()
            wr_b = pltpu.async_copy(rows_b, out_hbm.at[pl.ds(base + (g + 1) * CHUNK, CHUNK)], sem_b)
            is_last = g + 2 >= per_w // CHUNK
            nxt = jnp.where(is_last, 0, (g + 2) * CHUNK)
            gt_a = pltpu.async_copy(tab_hbm.at[idx_v.at[pl.ds(nxt, CHUNK)]], rows_a, sem_a)
            wr_b.wait()
            gt_a.wait()

    return gather_kernel(packed, ids)


def _mlp_body(uew_ref, iew_ref,
              u_W1, u_b1, u_W2, u_b2, u_W3, u_b3,
              i_W1, i_b1, i_W2, i_b2, i_W3, i_b3,
              p_W1, p_b1, p_W2, p_b2, out_ref):
    f32 = jnp.float32
    bf16 = jnp.bfloat16
    H = u_W1.shape[0]

    def dense(x, W, b, relu=True):
        y = jnp.dot(x.astype(bf16), W[...].astype(bf16),
                    preferred_element_type=f32) + b[...]
        return jnp.maximum(y, 0.0) if relu else y

    ue = uew_ref[:, :H]
    ie = iew_ref[:, H:]
    ue = dense(dense(dense(ue, u_W1, u_b1), u_W2, u_b2), u_W3, u_b3)
    ie = dense(dense(dense(ie, i_W1, i_b1), i_W2, i_b2), i_W3, i_b3)
    h = (jnp.dot(ue.astype(bf16), p_W1[:H, :].astype(bf16), preferred_element_type=f32)
         + jnp.dot(ie.astype(bf16), p_W1[H:, :].astype(bf16), preferred_element_type=f32)
         + p_b1[...])
    h = jnp.maximum(h, 0.0)
    out_ref[...] = dense(h, p_W2, p_b2, relu=False)


def kernel(user_ids, item_ids, user_table, item_table,
           u_W1, u_b1, u_W2, u_b2, u_W3, u_b3,
           i_W1, i_b1, i_W2, i_b2, i_W3, i_b3,
           p_W1, p_b1, p_W2, p_b2):
    B = user_ids.shape[0]
    H = user_table.shape[1]
    packed = _pack_tables(user_table, item_table)
    ids = jnp.concatenate([user_ids, item_ids])
    rows = _sc_gather(packed, ids)

    BLK = 2048
    full = lambda shape: pl.BlockSpec(shape, lambda i: tuple(0 for _ in shape))
    nblk = B // BLK
    preds = pl.pallas_call(
        _mlp_body,
        grid=(nblk,),
        in_specs=[
            pl.BlockSpec((BLK, 2 * H), lambda i: (i, 0)),
            pl.BlockSpec((BLK, 2 * H), lambda i, _n=nblk: (i + _n, 0)),
            full(u_W1.shape), full(u_b1.shape), full(u_W2.shape), full(u_b2.shape),
            full(u_W3.shape), full(u_b3.shape),
            full(i_W1.shape), full(i_b1.shape), full(i_W2.shape), full(i_b2.shape),
            full(i_W3.shape), full(i_b3.shape),
            full(p_W1.shape), full(p_b1.shape), full(p_W2.shape), full(p_b2.shape),
        ],
        out_specs=pl.BlockSpec((BLK, 1), lambda i: (i, 0)),
        out_shape=jax.ShapeDtypeStruct((B, 1), jnp.float32),
    )(rows, rows,
      u_W1, u_b1, u_W2, u_b2, u_W3, u_b3,
      i_W1, i_b1, i_W2, i_b2, i_W3, i_b3,
      p_W1, p_b1, p_W2, p_b2)
    return preds.reshape(-1)

# --- scband reference (transcript-rebuilt; emitter-appended) ---
"""Pipeline reference for scband-ncf-6236292514373 (READ-ONLY COPY).

The authoritative reference and input builder live on the scoring server;
editing this copy changes nothing except your own understanding.
"""

import jax, jax.numpy as jnp
import numpy as np

B = 16384
U = 1000000
I = 1000000
H = 64
M = 64


def _lin(k, fan_in, fan_out):
    kw, kb = jax.random.split(k)
    s = 1.0 / np.sqrt(fan_in)
    W = jax.random.uniform(kw, (fan_in, fan_out), minval=-s, maxval=s, dtype=jnp.float32)
    b = jax.random.uniform(kb, (fan_out,), minval=-s, maxval=s, dtype=jnp.float32)
    return W, b


def setup_inputs(seed: int = 0) -> dict:
    key = jax.random.key(seed)
    ks = jax.random.split(key, 14)
    inp = {}
    inp["user_ids"] = jax.random.randint(ks[0], (B,), 0, U, dtype=jnp.int64 if jax.config.jax_enable_x64 else jnp.int32)
    inp["item_ids"] = jax.random.randint(ks[1], (B,), 0, I, dtype=jnp.int64 if jax.config.jax_enable_x64 else jnp.int32)
    inp["user_table"] = jax.random.normal(ks[2], (U, H), dtype=jnp.float32) * 0.02
    inp["item_table"] = jax.random.normal(ks[3], (I, H), dtype=jnp.float32) * 0.02
    # user MLP: H -> 4M -> 2M -> M
    inp["u_W1"], inp["u_b1"] = _lin(ks[4], H, 4 * M)
    inp["u_W2"], inp["u_b2"] = _lin(ks[5], 4 * M, 2 * M)
    inp["u_W3"], inp["u_b3"] = _lin(ks[6], 2 * M, M)
    # item MLP: H -> 4M -> 2M -> M
    inp["i_W1"], inp["i_b1"] = _lin(ks[7], H, 4 * M)
    inp["i_W2"], inp["i_b2"] = _lin(ks[8], 4 * M, 2 * M)
    inp["i_W3"], inp["i_b3"] = _lin(ks[9], 2 * M, M)
    # predict layer: 2H -> H -> 1
    inp["p_W1"], inp["p_b1"] = _lin(ks[10], 2 * H, H)
    inp["p_W2"], inp["p_b2"] = _lin(ks[11], H, 1)
    return inp


def reference(user_ids, item_ids, user_table, item_table,
              u_W1, u_b1, u_W2, u_b2, u_W3, u_b3,
              i_W1, i_b1, i_W2, i_b2, i_W3, i_b3,
              p_W1, p_b1, p_W2, p_b2):
    ue = jnp.take(user_table, user_ids, axis=0)
    ue = jax.nn.relu(ue @ u_W1 + u_b1)
    ue = jax.nn.relu(ue @ u_W2 + u_b2)
    ue = jax.nn.relu(ue @ u_W3 + u_b3)
    ie = jnp.take(item_table, item_ids, axis=0)
    ie = jax.nn.relu(ie @ i_W1 + i_b1)
    ie = jax.nn.relu(ie @ i_W2 + i_b2)
    ie = jax.nn.relu(ie @ i_W3 + i_b3)
    c = jnp.concatenate([ue, ie], axis=1)
    h = jax.nn.relu(c @ p_W1 + p_b1)
    preds = h @ p_W2 + p_b2
    return preds.reshape(-1)

if __name__ == "__main__":
    import jax
    _d = setup_inputs()
    print(jax.jit(kernel)(*tuple(_d.values())))

</pallas_src>

<mosaic_0001>
#map = affine_map<(d0, d1) -> (0, 0)>
#map1 = affine_map<(d0, d1) -> (0)>
module attributes {stable_mosaic.version = 14 : i64} {
  func.func @gather_kernel(%arg0: i32, %arg1: i32, %arg2: memref<1000000x128xf32, #tpu.memory_space<hbm>>, %arg3: memref<32768xi32, #tpu.memory_space<hbm>>, %arg4: memref<32768x128xf32, #tpu.memory_space<hbm>>, %arg5: memref<1024xi32, #tpu.memory_space<vmem>>, %arg6: memref<128x128xf32, #tpu.memory_space<vmem>>, %arg7: memref<128x128xf32, #tpu.memory_space<vmem>>, %arg8: memref<!tpu.dma_semaphore, #tpu.memory_space<semaphore_mem>>, %arg9: memref<!tpu.dma_semaphore, #tpu.memory_space<semaphore_mem>>) attributes {dimension_semantics = [#tpu.dimension_semantics<core_parallel>, #tpu.dimension_semantics<subcore_parallel>], iteration_bounds = array<i64: 2, 16>, scalar_prefetch = 0 : i64, scratch_operands = 5 : i64, tpu.core_type = #tpu.core_type<sc_vector_subcore>, window_params = [{transform_indices = #map}, {transform_indices = #map1}, {transform_indices = #map}]} {
    %mul3A = arith.constant 2 : i32
    %mul3A_0 = arith.muli %arg1, %mul3A : i32
    %add3A = arith.addi %mul3A_0, %arg0 : i32
    %mul3A_1 = arith.constant 1024 : i32
    %mul3A_2 = arith.muli %add3A, %mul3A_1 : i32
    "tpu.region"() ({
      %run_scoped3A = tpu.sem_alloc : memref<!tpu.dma_semaphore, #tpu.memory_space<semaphore_mem>>
      %dma_start3A_15 = tpu.memref_slice %arg3[%mul3A_2] : memref<32768xi32, #tpu.memory_space<hbm>> -> memref<1024xi32, #tpu.memory_space<hbm>>
      %dma_start3A_16 = tpu.memref_slice %arg3[%mul3A_2] : memref<32768xi32, #tpu.memory_space<hbm>> -> memref<1024xi32, #tpu.memory_space<hbm>>
      tpu.enqueue_dma source(%dma_start3A_16 : memref<1024xi32, #tpu.memory_space<hbm>>) target(%arg5 : memref<1024xi32, #tpu.memory_space<vmem>>) target_semaphore(%run_scoped3A : memref<!tpu.dma_semaphore, #tpu.memory_space<semaphore_mem>>)
      %dma_wait3A_17 = tpu.memref_slice %arg3[%mul3A_2] : memref<32768xi32, #tpu.memory_space<hbm>> -> memref<1024xi32, #tpu.memory_space<hbm>>
      %dma_wait3A_18 = tpu.memref_slice %arg3[%mul3A_2] : memref<32768xi32, #tpu.memory_space<hbm>> -> memref<1024xi32, #tpu.memory_space<hbm>>
      tpu.wait_dma2 semaphore(%run_scoped3A : memref<!tpu.dma_semaphore, #tpu.memory_space<semaphore_mem>>) src(%dma_wait3A_18 : memref<1024xi32, #tpu.memory_space<hbm>>) dst(%arg5 : memref<1024xi32, #tpu.memory_space<vmem>>)
      tpu.yield
    }) : () -> ()
    %dma_start3A = arith.constant 0 : i32
    %dma_start3A_3 = tpu.memref_slice %arg5[%dma_start3A] : memref<1024xi32, #tpu.memory_space<vmem>> -> memref<128xi32, #tpu.memory_space<vmem>>
    %dma_start3A_4 = arith.constant 0 : i32
    %dma_start3A_5 = arith.constant 0 : i32
    %dma_start3A_6 = tpu.memref_slice %arg2[%dma_start3A_4, %dma_start3A_5] : memref<1000000x128xf32, #tpu.memory_space<hbm>> -> memref<1000000x128xf32, #tpu.memory_space<hbm>>
    tpu.enqueue_indirect_dma source(%dma_start3A_6 : memref<1000000x128xf32, #tpu.memory_space<hbm>>) target(%arg6 : memref<128x128xf32, #tpu.memory_space<vmem>>) offsets(%dma_start3A_3 : memref<128xi32, #tpu.memory_space<vmem>>) semaphore(%arg8 : memref<!tpu.dma_semaphore, #tpu.memory_space<semaphore_mem>>)
    %dma_wait3A = arith.constant 0 : i32
    %dma_wait3A_7 = tpu.memref_slice %arg5[%dma_wait3A] : memref<1024xi32, #tpu.memory_space<vmem>> -> memref<128xi32, #tpu.memory_space<vmem>>
    %dma_wait3A_8 = arith.constant 0 : i32
    %dma_wait3A_9 = arith.constant 0 : i32
    %dma_wait3A_10 = tpu.memref_slice %arg2[%dma_wait3A_8, %dma_wait3A_9] : memref<1000000x128xf32, #tpu.memory_space<hbm>> -> memref<1000000x128xf32, #tpu.memory_space<hbm>>
    tpu.wait_indirect_dma semaphore(%arg8 : memref<!tpu.dma_semaphore, #tpu.memory_space<semaphore_mem>>) src(%dma_wait3A_10 : memref<1000000x128xf32, #tpu.memory_space<hbm>>) dst(%arg6 : memref<128x128xf32, #tpu.memory_space<vmem>>)
    %scan3A = arith.constant 0 : i32
    %scan3A_11 = arith.constant 4 : i32
    %scan3A_12 = arith.addi %scan3A, %scan3A_11 : i32
    %scan3A_13 = arith.constant 1 : i32
    scf.for %scan3A_15 = %scan3A to %scan3A_12 step %scan3A_13  : i32 {
      %mul3A_16 = arith.constant 1 : i32
      %mul3A_17 = arith.muli %scan3A_15, %mul3A_16 : i32
      %add3A_18 = arith.constant 0 : i32
      %add3A_19 = arith.addi %add3A_18, %mul3A_17 : i32
      %mul3A_20 = arith.constant 2 : i32
      %mul3A_21 = arith.muli %add3A_19, %mul3A_20 : i32
      %mul3A_22 = arith.constant 128 : i32
      %mul3A_23 = arith.muli %mul3A_21, %mul3A_22 : i32
      %add3A_24 = arith.addi %mul3A_2, %mul3A_23 : i32
      %dma_start3A_25 = arith.constant 0 : i32
      %dma_start3A_26 = tpu.memref_slice %arg4[%add3A_24, %dma_start3A_25] : memref<32768x128xf32, #tpu.memory_space<hbm>> -> memref<128x128xf32, #tpu.memory_space<hbm>>
      %dma_start3A_27 = arith.constant 0 : i32
      %dma_start3A_28 = tpu.memref_slice %arg4[%add3A_24, %dma_start3A_27] : memref<32768x128xf32, #tpu.memory_space<hbm>> -> memref<128x128xf32, #tpu.memory_space<hbm>>
      tpu.enqueue_dma source(%arg6 : memref<128x128xf32, #tpu.memory_space<vmem>>) target(%dma_start3A_28 : memref<128x128xf32, #tpu.memory_space<hbm>>) target_semaphore(%arg8 : memref<!tpu.dma_semaphore, #tpu.memory_space<semaphore_mem>>)
      %add3A_29 = arith.constant 1 : i32
      %add3A_30 = arith.addi %mul3A_21, %add3A_29 : i32
      %mul3A_31 = arith.constant 128 : i32
      %mul3A_32 = arith.muli %add3A_30, %mul3A_31 : i32
      %dma_start3A_33 = tpu.memref_slice %arg5[%mul3A_32] : memref<1024xi32, #tpu.memory_space<vmem>> -> memref<128xi32, #tpu.memory_space<vmem>>
      %dma_start3A_34 = arith.constant 0 : i32
      %dma_start3A_35 = arith.constant 0 : i32
      %dma_start3A_36 = tpu.memref_slice %arg2[%dma_start3A_34, %dma_start3A_35] : memref<1000000x128xf32, #tpu.memory_space<hbm>> -> memref<1000000x128xf32, #tpu.memory_space<hbm>>
      tpu.enqueue_indirect_dma source(%dma_start3A_36 : memref<1000000x128xf32, #tpu.memory_space<hbm>>) target(%arg7 : memref<128x128xf32, #tpu.memory_space<vmem>>) offsets(%dma_start3A_33 : memref<128xi32, #tpu.memory_space<vmem>>) semaphore(%arg9 : memref<!tpu.dma_semaphore, #tpu.memory_space<semaphore_mem>>)
      %dma_wait3A_37 = arith.constant 0 : i32
      %dma_wait3A_38 = tpu.memref_slice %arg4[%add3A_24, %dma_wait3A_37] : memref<32768x128xf32, #tpu.memory_space<hbm>> -> memref<128x128xf32, #tpu.memory_space<hbm>>
      %dma_wait3A_39 = arith.constant 0 : i32
      %dma_wait3A_40 = tpu.memref_slice %arg4[%add3A_24, %dma_wait3A_39] : memref<32768x128xf32, #tpu.memory_space<hbm>> -> memref<128x128xf32, #tpu.memory_space<hbm>>
      tpu.wait_dma2 semaphore(%arg8 : memref<!tpu.dma_semaphore, #tpu.memory_space<semaphore_mem>>) src(%arg6 : memref<128x128xf32, #tpu.memory_space<vmem>>) dst(%dma_wait3A_40 : memref<128x128xf32, #tpu.memory_space<hbm>>)
      %dma_wait3A_41 = tpu.memref_slice %arg5[%mul3A_32] : memref<1024xi32, #tpu.memory_space<vmem>> -> memref<128xi32, #tpu.memory_space<vmem>>
      %dma_wait3A_42 = arith.constant 0 : i32
      %dma_wait3A_43 = arith.constant 0 : i32
      %dma_wait3A_44 = tpu.memref_slice %arg2[%dma_wait3A_42, %dma_wait3A_43] : memref<1000000x128xf32, #tpu.memory_space<hbm>> -> memref<1000000x128xf32, #tpu.memory_space<hbm>>
      tpu.wait_indirect_dma semaphore(%arg9 : memref<!tpu.dma_semaphore, #tpu.memory_space<semaphore_mem>>) src(%dma_wait3A_44 : memref<1000000x128xf32, #tpu.memory_space<hbm>>) dst(%arg7 : memref<128x128xf32, #tpu.memory_space<vmem>>)
      %add3A_45 = arith.constant 1 : i32
      %add3A_46 = arith.addi %mul3A_21, %add3A_45 : i32
      %mul3A_47 = arith.constant 128 : i32
      %mul3A_48 = arith.muli %add3A_46, %mul3A_47 : i32
      %add3A_49 = arith.addi %mul3A_2, %mul3A_48 : i32
      %dma_start3A_50 = arith.constant 0 : i32
      %dma_start3A_51 = tpu.memref_slice %arg4[%add3A_49, %dma_start3A_50] : memref<32768x128xf32, #tpu.memory_space<hbm>> -> memref<128x128xf32, #tpu.memory_space<hbm>>
      %dma_start3A_52 = arith.constant 0 : i32
      %dma_start3A_53 = tpu.memref_slice %arg4[%add3A_49, %dma_start3A_52] : memref<32768x128xf32, #tpu.memory_space<hbm>> -> memref<128x128xf32, #tpu.memory_space<hbm>>
      tpu.enqueue_dma source(%arg7 : memref<128x128xf32, #tpu.memory_space<vmem>>) target(%dma_start3A_53 : memref<128x128xf32, #tpu.memory_space<hbm>>) target_semaphore(%arg9 : memref<!tpu.dma_semaphore, #tpu.memory_space<semaphore_mem>>)
      %add3A_54 = arith.constant 2 : i32
      %add3A_55 = arith.addi %mul3A_21, %add3A_54 : i32
      %ge3A = arith.constant 8 : i32
      %ge3A_56 = arith.cmpi sge, %add3A_55, %ge3A : i32
      %add3A_57 = arith.constant 2 : i32
      %add3A_58 = arith.addi %mul3A_21, %add3A_57 : i32
      %mul3A_59 = arith.constant 128 : i32
      %mul3A_60 = arith.muli %add3A_58, %mul3A_59 : i32
      %jit3A = arith.constant 0 : i32
      %select_n3A = arith.select %ge3A_56, %jit3A, %mul3A_60 : i32
      %dma_start3A_61 = tpu.memref_slice %arg5[%select_n3A] : memref<1024xi32, #tpu.memory_space<vmem>> -> memref<128xi32, #tpu.memory_space<vmem>>
      %dma_start3A_62 = arith.constant 0 : i32
      %dma_start3A_63 = arith.constant 0 : i32
      %dma_start3A_64 = tpu.memref_slice %arg2[%dma_start3A_62, %dma_start3A_63] : memref<1000000x128xf32, #tpu.memory_space<hbm>> -> memref<1000000x128xf32, #tpu.memory_space<hbm>>
      tpu.enqueue_indirect_dma source(%dma_start3A_64 : memref<1000000x128xf32, #tpu.memory_space<hbm>>) target(%arg6 : memref<128x128xf32, #tpu.memory_space<vmem>>) offsets(%dma_start3A_61 : memref<128xi32, #tpu.memory_space<vmem>>) semaphore(%arg8 : memref<!tpu.dma_semaphore, #tpu.memory_space<semaphore_mem>>)
      %dma_wait3A_65 = arith.constant 0 : i32
      %dma_wait3A_66 = tpu.memref_slice %arg4[%add3A_49, %dma_wait3A_65] : memref<32768x128xf32, #tpu.memory_space<hbm>> -> memref<128x128xf32, #tpu.memory_space<hbm>>
      %dma_wait3A_67 = arith.constant 0 : i32
      %dma_wait3A_68 = tpu.memref_slice %arg4[%add3A_49, %dma_wait3A_67] : memref<32768x128xf32, #tpu.memory_space<hbm>> -> memref<128x128xf32, #tpu.memory_space<hbm>>
      tpu.wait_dma2 semaphore(%arg9 : memref<!tpu.dma_semaphore, #tpu.memory_space<semaphore_mem>>) src(%arg7 : memref<128x128xf32, #tpu.memory_space<vmem>>) dst(%dma_wait3A_68 : memref<128x128xf32, #tpu.memory_space<hbm>>)
      %dma_wait3A_69 = tpu.memref_slice %arg5[%select_n3A] : memref<1024xi32, #tpu.memory_space<vmem>> -> memref<128xi32, #tpu.memory_space<vmem>>
      %dma_wait3A_70 = arith.constant 0 : i32
      %dma_wait3A_71 = arith.constant 0 : i32
      %dma_wait3A_72 = tpu.memref_slice %arg2[%dma_wait3A_70, %dma_wait3A_71] : memref<1000000x128xf32, #tpu.memory_space<hbm>> -> memref<1000000x128xf32, #tpu.memory_space<hbm>>
      tpu.wait_indirect_dma semaphore(%arg8 : memref<!tpu.dma_semaphore, #tpu.memory_space<semaphore_mem>>) src(%dma_wait3A_72 : memref<1000000x128xf32, #tpu.memory_space<hbm>>) dst(%arg6 : memref<128x128xf32, #tpu.memory_space<vmem>>)
    }
    %scan3A_14 = arith.constant 4 : i32
    return
  }
}

module attributes {stable_mosaic.version = 14 : i64} {
  func.func @_mlp_body(%arg0: i32, %arg1: memref<2048x128xf32, #tpu.memory_space<vmem>>, %arg2: memref<2048x128xf32, #tpu.memory_space<vmem>>, %arg3: memref<64x256xf32, #tpu.memory_space<vmem>>, %arg4: memref<256xf32, #tpu.memory_space<vmem>>, %arg5: memref<256x128xf32, #tpu.memory_space<vmem>>, %arg6: memref<128xf32, #tpu.memory_space<vmem>>, %arg7: memref<128x64xf32, #tpu.memory_space<vmem>>, %arg8: memref<64xf32, #tpu.memory_space<vmem>>, %arg9: memref<64x256xf32, #tpu.memory_space<vmem>>, %arg10: memref<256xf32, #tpu.memory_space<vmem>>, %arg11: memref<256x128xf32, #tpu.memory_space<vmem>>, %arg12: memref<128xf32, #tpu.memory_space<vmem>>, %arg13: memref<128x64xf32, #tpu.memory_space<vmem>>, %arg14: memref<64xf32, #tpu.memory_space<vmem>>, %arg15: memref<128x64xf32, #tpu.memory_space<vmem>>, %arg16: memref<64xf32, #tpu.memory_space<vmem>>, %arg17: memref<64x1xf32, #tpu.memory_space<vmem>>, %arg18: memref<1xf32, #tpu.memory_space<vmem>>, %arg19: memref<2048x1xf32, #tpu.memory_space<vmem>>) attributes {dimension_semantics = [#tpu.dimension_semantics<arbitrary>], iteration_bounds = array<i64: 8>, scalar_prefetch = 0 : i64, scratch_operands = 0 : i64, tpu.core_type = #tpu.core_type<tc>, window_params = [{transform_indices = @transform_0, window_bounds = array<i64: 2048, 128>}, {transform_indices = @transform_1, window_bounds = array<i64: 2048, 128>}, {pipeline_mode = #tpu.pipeline_mode<synchronous>, transform_indices = @transform_2, window_bounds = array<i64: 64, 256>}, {pipeline_mode = #tpu.pipeline_mode<synchronous>, transform_indices = @transform_3, window_bounds = array<i64: 256>}, {pipeline_mode = #tpu.pipeline_mode<synchronous>, transform_indices = @transform_4, window_bounds = array<i64: 256, 128>}, {pipeline_mode = #tpu.pipeline_mode<synchronous>, transform_indices = @transform_5, window_bounds = array<i64: 128>}, {pipeline_mode = #tpu.pipeline_mode<synchronous>, transform_indices = @transform_6, window_bounds = array<i64: 128, 64>}, {pipeline_mode = #tpu.pipeline_mode<synchronous>, transform_indices = @transform_7, window_bounds = array<i64: 64>}, {pipeline_mode = #tpu.pipeline_mode<synchronous>, transform_indices = @transform_8, window_bounds = array<i64: 64, 256>}, {pipeline_mode = #tpu.pipeline_mode<synchronous>, transform_indices = @transform_9, window_bounds = array<i64: 256>}, {pipeline_mode = #tpu.pipeline_mode<synchronous>, transform_indices = @transform_10, window_bounds = array<i64: 256, 128>}, {pipeline_mode = #tpu.pipeline_mode<synchronous>, transform_indices = @transform_11, window_bounds = array<i64: 128>}, {pipeline_mode = #tpu.pipeline_mode<synchronous>, transform_indices = @transform_12, window_bounds = array<i64: 128, 64>}, {pipeline_mode = #tpu.pipeline_mode<synchronous>, transform_indices = @transform_13, window_bounds = array<i64: 64>}, {pipeline_mode = #tpu.pipeline_mode<synchronous>, transform_indices = @transform_14, window_bounds = array<i64: 128, 64>}, {pipeline_mode = #tpu.pipeline_mode<synchronous>, transform_indices = @transform_15, window_bounds = array<i64: 64>}, {pipeline_mode = #tpu.pipeline_mode<synchronous>, transform_indices = @transform_16, window_bounds = array<i64: 64, 1>}, {pipeline_mode = #tpu.pipeline_mode<synchronous>, transform_indices = @transform_17, window_bounds = array<i64: 1>}, {transform_indices = @transform_18, window_bounds = array<i64: 2048, 1>}]} {
    %get3A = arith.constant 0 : index
    %get3A_0 = arith.constant 0 : index
    %get3A_1 = vector.load %arg1[%get3A, %get3A_0] : memref<2048x128xf32, #tpu.memory_space<vmem>>, vector<2048x64xf32>
    %get3A_2 = arith.constant 0 : index
    %get3A_3 = arith.constant 64 : index
    %get3A_4 = vector.load %arg2[%get3A_2, %get3A_3] : memref<2048x128xf32, #tpu.memory_space<vmem>>, vector<2048x64xf32>
    %convert_element_type3A = arith.truncf %get3A_1 : vector<2048x64xf32> to vector<2048x64xbf16>
    %get3A_5 = arith.constant 0 : index
    %get3A_6 = arith.constant 0 : index
    %get3A_7 = vector.load %arg3[%get3A_5, %get3A_6] : memref<64x256xf32, #tpu.memory_space<vmem>>, vector<64x256xf32>
    %convert_element_type3A_8 = arith.truncf %get3A_7 : vector<64x256xf32> to vector<64x256xbf16>
    %dot_general3A = arith.constant dense<0.000000e+00> : vector<2048x256xf32>
    %dot_general3A_9 = tpu.matmul %convert_element_type3A, %convert_element_type3A_8, %dot_general3A {dimension_numbers = #tpu.dot_dimension_numbers<[1], [0], [0], [1], [0, 0, 1, 1], [], []>, transpose_lhs_hint = false} : vector<2048x64xbf16>, vector<64x256xbf16>, vector<2048x256xf32> -> vector<2048x256xf32>
    %get3A_10 = arith.constant 0 : index
    %get3A_11 = vector.load %arg4[%get3A_10] : memref<256xf32, #tpu.memory_space<vmem>>, vector<256xf32>
    %broadcast_in_dim3A = vector.shape_cast %get3A_11 : vector<256xf32> to vector<1x256xf32>
    %add3A = vector.broadcast %broadcast_in_dim3A : vector<1x256xf32> to vector<2048x256xf32>
    %add3A_12 = arith.addf %dot_general3A_9, %add3A : vector<2048x256xf32>
    %max3A = arith.constant 0.000000e+00 : f32
    %max3A_13 = vector.broadcast %max3A : f32 to vector<2048x256xf32>
    %max3A_14 = arith.maximumf %add3A_12, %max3A_13 : vector<2048x256xf32>
    %convert_element_type3A_15 = arith.truncf %max3A_14 : vector<2048x256xf32> to vector<2048x256xbf16>
    %get3A_16 = arith.constant 0 : index
    %get3A_17 = arith.constant 0 : index
    %get3A_18 = vector.load %arg5[%get3A_16, %get3A_17] : memref<256x128xf32, #tpu.memory_space<vmem>>, vector<256x128xf32>
    %convert_element_type3A_19 = arith.truncf %get3A_18 : vector<256x128xf32> to vector<256x128xbf16>
    %dot_general3A_20 = arith.constant dense<0.000000e+00> : vector<2048x128xf32>
    %dot_general3A_21 = tpu.matmul %convert_element_type3A_15, %convert_element_type3A_19, %dot_general3A_20 {dimension_numbers = #tpu.dot_dimension_numbers<[1], [0], [0], [1], [0, 0, 1, 1], [], []>, transpose_lhs_hint = false} : vector<2048x256xbf16>, vector<256x128xbf16>, vector<2048x128xf32> -> vector<2048x128xf32>
    %get3A_22 = arith.constant 0 : index
    %get3A_23 = vector.load %arg6[%get3A_22] : memref<128xf32, #tpu.memory_space<vmem>>, vector<128xf32>
    %broadcast_in_dim3A_24 = vector.shape_cast %get3A_23 : vector<128xf32> to vector<1x128xf32>
    %add3A_25 = vector.broadcast %broadcast_in_dim3A_24 : vector<1x128xf32> to vector<2048x128xf32>
    %add3A_26 = arith.addf %dot_general3A_21, %add3A_25 : vector<2048x128xf32>
    %max3A_27 = arith.constant 0.000000e+00 : f32
    %max3A_28 = vector.broadcast %max3A_27 : f32 to vector<2048x128xf32>
    %max3A_29 = arith.maximumf %add3A_26, %max3A_28 : vector<2048x128xf32>
    %convert_element_type3A_30 = arith.truncf %max3A_29 : vector<2048x128xf32> to vector<2048x128xbf16>
    %get3A_31 = arith.constant 0 : index
    %get3A_32 = arith.constant 0 : index
    %get3A_33 = vector.load %arg7[%get3A_31, %get3A_32] : memref<128x64xf32, #tpu.memory_space<vmem>>, vector<128x64xf32>
    %convert_element_type3A_34 = arith.truncf %get3A_33 : vector<128x64xf32> to vector<128x64xbf16>
    %dot_general3A_35 = arith.constant dense<0.000000e+00> : vector<2048x64xf32>
    %dot_general3A_36 = tpu.matmul %convert_element_type3A_30, %convert_element_type3A_34, %dot_general3A_35 {dimension_numbers = #tpu.dot_dimension_numbers<[1], [0], [0], [1], [0, 0, 1, 1], [], []>, transpose_lhs_hint = false} : vector<2048x128xbf16>, vector<128x64xbf16>, vector<2048x64xf32> -> vector<2048x64xf32>
    %get3A_37 = arith.constant 0 : index
    %get3A_38 = vector.load %arg8[%get3A_37] : memref<64xf32, #tpu.memory_space<vmem>>, vector<64xf32>
    %broadcast_in_dim3A_39 = vector.shape_cast %get3A_38 : vector<64xf32> to vector<1x64xf32>
    %add3A_40 = vector.broadcast %broadcast_in_dim3A_39 : vector<1x64xf32> to vector<2048x64xf32>
    %add3A_41 = arith.addf %dot_general3A_36, %add3A_40 : vector<2048x64xf32>
    %max3A_42 = arith.constant 0.000000e+00 : f32
    %max3A_43 = vector.broadcast %max3A_42 : f32 to vector<2048x64xf32>
    %max3A_44 = arith.maximumf %add3A_41, %max3A_43 : vector<2048x64xf32>
    %convert_element_type3A_45 = arith.truncf %get3A_4 : vector<2048x64xf32> to vector<2048x64xbf16>
    %get3A_46 = arith.constant 0 : index
    %get3A_47 = arith.constant 0 : index
    %get3A_48 = vector.load %arg9[%get3A_46, %get3A_47] : memref<64x256xf32, #tpu.memory_space<vmem>>, vector<64x256xf32>
    %convert_element_type3A_49 = arith.truncf %get3A_48 : vector<64x256xf32> to vector<64x256xbf16>
    %dot_general3A_50 = arith.constant dense<0.000000e+00> : vector<2048x256xf32>
    %dot_general3A_51 = tpu.matmul %convert_element_type3A_45, %convert_element_type3A_49, %dot_general3A_50 {dimension_numbers = #tpu.dot_dimension_numbers<[1], [0], [0], [1], [0, 0, 1, 1], [], []>, transpose_lhs_hint = false} : vector<2048x64xbf16>, vector<64x256xbf16>, vector<2048x256xf32> -> vector<2048x256xf32>
    %get3A_52 = arith.constant 0 : index
    %get3A_53 = vector.load %arg10[%get3A_52] : memref<256xf32, #tpu.memory_space<vmem>>, vector<256xf32>
    %broadcast_in_dim3A_54 = vector.shape_cast %get3A_53 : vector<256xf32> to vector<1x256xf32>
    %add3A_55 = vector.broadcast %broadcast_in_dim3A_54 : vector<1x256xf32> to vector<2048x256xf32>
    %add3A_56 = arith.addf %dot_general3A_51, %add3A_55 : vector<2048x256xf32>
    %max3A_57 = arith.constant 0.000000e+00 : f32
    %max3A_58 = vector.broadcast %max3A_57 : f32 to vector<2048x256xf32>
    %max3A_59 = arith.maximumf %add3A_56, %max3A_58 : vector<2048x256xf32>
    %convert_element_type3A_60 = arith.truncf %max3A_59 : vector<2048x256xf32> to vector<2048x256xbf16>
    %get3A_61 = arith.constant 0 : index
    %get3A_62 = arith.constant 0 : index
    %get3A_63 = vector.load %arg11[%get3A_61, %get3A_62] : memref<256x128xf32, #tpu.memory_space<vmem>>, vector<256x128xf32>
    %convert_element_type3A_64 = arith.truncf %get3A_63 : vector<256x128xf32> to vector<256x128xbf16>
    %dot_general3A_65 = arith.constant dense<0.000000e+00> : vector<2048x128xf32>
    %dot_general3A_66 = tpu.matmul %convert_element_type3A_60, %convert_element_type3A_64, %dot_general3A_65 {dimension_numbers = #tpu.dot_dimension_numbers<[1], [0], [0], [1], [0, 0, 1, 1], [], []>, transpose_lhs_hint = false} : vector<2048x256xbf16>, vector<256x128xbf16>, vector<2048x128xf32> -> vector<2048x128xf32>
    %get3A_67 = arith.constant 0 : index
    %get3A_68 = vector.load %arg12[%get3A_67] : memref<128xf32, #tpu.memory_space<vmem>>, vector<128xf32>
    %broadcast_in_dim3A_69 = vector.shape_cast %get3A_68 : vector<128xf32> to vector<1x128xf32>
    %add3A_70 = vector.broadcast %broadcast_in_dim3A_69 : vector<1x128xf32> to vector<2048x128xf32>
    %add3A_71 = arith.addf %dot_general3A_66, %add3A_70 : vector<2048x128xf32>
    %max3A_72 = arith.constant 0.000000e+00 : f32
    %max3A_73 = vector.broadcast %max3A_72 : f32 to vector<2048x128xf32>
    %max3A_74 = arith.maximumf %add3A_71, %max3A_73 : vector<2048x128xf32>
    %convert_element_type3A_75 = arith.truncf %max3A_74 : vector<2048x128xf32> to vector<2048x128xbf16>
    %get3A_76 = arith.constant 0 : index
    %get3A_77 = arith.constant 0 : index
    %get3A_78 = vector.load %arg13[%get3A_76, %get3A_77] : memref<128x64xf32, #tpu.memory_space<vmem>>, vector<128x64xf32>
    %convert_element_type3A_79 = arith.truncf %get3A_78 : vector<128x64xf32> to vector<128x64xbf16>
    %dot_general3A_80 = arith.constant dense<0.000000e+00> : vector<2048x64xf32>
    %dot_general3A_81 = tpu.matmul %convert_element_type3A_75, %convert_element_type3A_79, %dot_general3A_80 {dimension_numbers = #tpu.dot_dimension_numbers<[1], [0], [0], [1], [0, 0, 1, 1], [], []>, transpose_lhs_hint = false} : vector<2048x128xbf16>, vector<128x64xbf16>, vector<2048x64xf32> -> vector<2048x64xf32>
    %get3A_82 = arith.constant 0 : index
    %get3A_83 = vector.load %arg14[%get3A_82] : memref<64xf32, #tpu.memory_space<vmem>>, vector<64xf32>
    %broadcast_in_dim3A_84 = vector.shape_cast %get3A_83 : vector<64xf32> to vector<1x64xf32>
    %add3A_85 = vector.broadcast %broadcast_in_dim3A_84 : vector<1x64xf32> to vector<2048x64xf32>
    %add3A_86 = arith.addf %dot_general3A_81, %add3A_85 : vector<2048x64xf32>
    %max3A_87 = arith.constant 0.000000e+00 : f32
    %max3A_88 = vector.broadcast %max3A_87 : f32 to vector<2048x64xf32>
    %max3A_89 = arith.maximumf %add3A_86, %max3A_88 : vector<2048x64xf32>
    %convert_element_type3A_90 = arith.truncf %max3A_44 : vector<2048x64xf32> to vector<2048x64xbf16>
    %get3A_91 = arith.constant 0 : index
    %get3A_92 = arith.constant 0 : index
    %get3A_93 = vector.load %arg15[%get3A_91, %get3A_92] : memref<128x64xf32, #tpu.memory_space<vmem>>, vector<64x64xf32>
    %convert_element_type3A_94 = arith.truncf %get3A_93 : vector<64x64xf32> to vector<64x64xbf16>
    %dot_general3A_95 = arith.constant dense<0.000000e+00> : vector<2048x64xf32>
    %dot_general3A_96 = tpu.matmul %convert_element_type3A_90, %convert_element_type3A_94, %dot_general3A_95 {dimension_numbers = #tpu.dot_dimension_numbers<[1], [0], [0], [1], [0, 0, 1, 1], [], []>, transpose_lhs_hint = false} : vector<2048x64xbf16>, vector<64x64xbf16>, vector<2048x64xf32> -> vector<2048x64xf32>
    %convert_element_type3A_97 = arith.truncf %max3A_89 : vector<2048x64xf32> to vector<2048x64xbf16>
    %get3A_98 = arith.constant 64 : index
    %get3A_99 = arith.constant 0 : index
    %get3A_100 = vector.load %arg15[%get3A_98, %get3A_99] : memref<128x64xf32, #tpu.memory_space<vmem>>, vector<64x64xf32>
    %convert_element_type3A_101 = arith.truncf %get3A_100 : vector<64x64xf32> to vector<64x64xbf16>
    %dot_general3A_102 = arith.constant dense<0.000000e+00> : vector<2048x64xf32>
    %dot_general3A_103 = tpu.matmul %convert_element_type3A_97, %convert_element_type3A_101, %dot_general3A_102 {dimension_numbers = #tpu.dot_dimension_numbers<[1], [0], [0], [1], [0, 0, 1, 1], [], []>, transpose_lhs_hint = false} : vector<2048x64xbf16>, vector<64x64xbf16>, vector<2048x64xf32> -> vector<2048x64xf32>
    %add3A_104 = arith.addf %dot_general3A_96, %dot_general3A_103 : vector<2048x64xf32>
    %get3A_105 = arith.constant 0 : index
    %get3A_106 = vector.load %arg16[%get3A_105] : memref<64xf32, #tpu.memory_space<vmem>>, vector<64xf32>
    %broadcast_in_dim3A_107 = vector.shape_cast %get3A_106 : vector<64xf32> to vector<1x64xf32>
    %add3A_108 = vector.broadcast %broadcast_in_dim3A_107 : vector<1x64xf32> to vector<2048x64xf32>
    %add3A_109 = arith.addf %add3A_104, %add3A_108 : vector<2048x64xf32>
    %max3A_110 = arith.constant 0.000000e+00 : f32
    %max3A_111 = vector.broadcast %max3A_110 : f32 to vector<2048x64xf32>
    %max3A_112 = arith.maximumf %add3A_109, %max3A_111 : vector<2048x64xf32>
    %convert_element_type3A_113 = arith.truncf %max3A_112 : vector<2048x64xf32> to vector<2048x64xbf16>
    %get3A_114 = arith.constant 0 : index
    %get3A_115 = arith.constant 0 : index
    %get3A_116 = vector.load %arg17[%get3A_114, %get3A_115] : memref<64x1xf32, #tpu.memory_space<vmem>>, vector<64x1xf32>
    %convert_element_type3A_117 = arith.truncf %get3A_116 : vector<64x1xf32> to vector<64x1xbf16>
    %dot_general3A_118 = arith.constant dense<0.000000e+00> : vector<2048x1xf32>
    %dot_general3A_119 = tpu.matmul %convert_element_type3A_113, %convert_element_type3A_117, %dot_general3A_118 {dimension_numbers = #tpu.dot_dimension_numbers<[1], [0], [0], [1], [0, 0, 1, 1], [], []>, transpose_lhs_hint = false} : vector<2048x64xbf16>, vector<64x1xbf16>, vector<2048x1xf32> -> vector<2048x1xf32>
    %get3A_120 = arith.constant 0 : index
    %get3A_121 = vector.load %arg18[%get3A_120] : memref<1xf32, #tpu.memory_space<vmem>>, vector<1xf32>
    %broadcast_in_dim3A_122 = vector.shape_cast %get3A_121 : vector<1xf32> to vector<1x1xf32>
    %add3A_123 = vector.broadcast %broadcast_in_dim3A_122 : vector<1x1xf32> to vector<2048x1xf32>
    %add3A_124 = arith.addf %dot_general3A_119, %add3A_123 : vector<2048x1xf32>
    %swap3A = arith.constant 0 : index
    %swap3A_125 = arith.constant 0 : index
    %swap3A_126 = vector.load %arg19[%swap3A, %swap3A_125] : memref<2048x1xf32, #tpu.memory_space<vmem>>, vector<2048x1xf32>
    tpu.vector_store %arg19[%swap3A, %swap3A_125], %add3A_124 {strides = array<i32>} : memref<2048x1xf32, #tpu.memory_space<vmem>>, vector<2048x1xf32>,
    return
  }
  func.func @transform_0(%arg0: i32) -> (i32, i32) {
    %c0_i32 = arith.constant 0 : i32
    %c0_i32_0 = arith.constant 0 : i32
    return %arg0, %c0_i32 : i32, i32
  }
  func.func @transform_1(%arg0: i32) -> (i32, i32) {
    %add3A = arith.constant 8 : i32
    %add3A_0 = arith.addi %arg0, %add3A : i32
    %c0_i32 = arith.constant 0 : i32
    %c0_i32_1 = arith.constant 0 : i32
    return %add3A_0, %c0_i32 : i32, i32
  }
  func.func @transform_2(%arg0: i32) -> (i32, i32) {
    %c0_i32 = arith.constant 0 : i32
    %c0_i32_0 = arith.constant 0 : i32
    %c0_i32_1 = arith.constant 0 : i32
    return %c0_i32, %c0_i32_0 : i32, i32
  }
  func.func @transform_3(%arg0: i32) -> i32 {
    %c0_i32 = arith.constant 0 : i32
    %c0_i32_0 = arith.constant 0 : i32
    return %c0_i32 : i32
  }
  func.func @transform_4(%arg0: i32) -> (i32, i32) {
    %c0_i32 = arith.constant 0 : i32
    %c0_i32_0 = arith.constant 0 : i32
    %c0_i32_1 = arith.constant 0 : i32
    return %c0_i32, %c0_i32_0 : i32, i32
  }
  func.func @transform_5(%arg0: i32) -> i32 {
    %c0_i32 = arith.constant 0 : i32
    %c0_i32_0 = arith.constant 0 : i32
    return %c0_i32 : i32
  }
  func.func @transform_6(%arg0: i32) -> (i32, i32) {
    %c0_i32 = arith.constant 0 : i32
    %c0_i32_0 = arith.constant 0 : i32
    %c0_i32_1 = arith.constant 0 : i32
    return %c0_i32, %c0_i32_0 : i32, i32
  }
  func.func @transform_7(%arg0: i32) -> i32 {
    %c0_i32 = arith.constant 0 : i32
    %c0_i32_0 = arith.constant 0 : i32
    return %c0_i32 : i32
  }
  func.func @transform_8(%arg0: i32) -> (i32, i32) {
    %c0_i32 = arith.constant 0 : i32
    %c0_i32_0 = arith.constant 0 : i32
    %c0_i32_1 = arith.constant 0 : i32
    return %c0_i32, %c0_i32_0 : i32, i32
  }
  func.func @transform_9(%arg0: i32) -> i32 {
    %c0_i32 = arith.constant 0 : i32
    %c0_i32_0 = arith.constant 0 : i32
    return %c0_i32 : i32
  }
  func.func @transform_10(%arg0: i32) -> (i32, i32) {
    %c0_i32 = arith.constant 0 : i32
    %c0_i32_0 = arith.constant 0 : i32
    %c0_i32_1 = arith.constant 0 : i32
    return %c0_i32, %c0_i32_0 : i32, i32
  }
  func.func @transform_11(%arg0: i32) -> i32 {
    %c0_i32 = arith.constant 0 : i32
    %c0_i32_0 = arith.constant 0 : i32
    return %c0_i32 : i32
  }
  func.func @transform_12(%arg0: i32) -> (i32, i32) {
    %c0_i32 = arith.constant 0 : i32
    %c0_i32_0 = arith.constant 0 : i32
    %c0_i32_1 = arith.constant 0 : i32
    return %c0_i32, %c0_i32_0 : i32, i32
  }
  func.func @transform_13(%arg0: i32) -> i32 {
    %c0_i32 = arith.constant 0 : i32
    %c0_i32_0 = arith.constant 0 : i32
    return %c0_i32 : i32
  }
  func.func @transform_14(%arg0: i32) -> (i32, i32) {
    %c0_i32 = arith.constant 0 : i32
    %c0_i32_0 = arith.constant 0 : i32
    %c0_i32_1 = arith.constant 0 : i32
    return %c0_i32, %c0_i32_0 : i32, i32
  }
  func.func @transform_15(%arg0: i32) -> i32 {
    %c0_i32 = arith.constant 0 : i32
    %c0_i32_0 = arith.constant 0 : i32
    return %c0_i32 : i32
  }
  func.func @transform_16(%arg0: i32) -> (i32, i32) {
    %c0_i32 = arith.constant 0 : i32
    %c0_i32_0 = arith.constant 0 : i32
    %c0_i32_1 = arith.constant 0 : i32
    return %c0_i32, %c0_i32_0 : i32, i32
  }
  func.func @transform_17(%arg0: i32) -> i32 {
    %c0_i32 = arith.constant 0 : i32
    %c0_i32_0 = arith.constant 0 : i32
    return %c0_i32 : i32
  }
  func.func @transform_18(%arg0: i32) -> (i32, i32) {
    %c0_i32 = arith.constant 0 : i32
    %c0_i32_0 = arith.constant 0 : i32
    return %arg0, %c0_i32 : i32, i32
  }
}

module attributes {stable_mosaic.version = 14 : i64} {
  func.func @_pack_body(%arg0: i32, %arg1: memref<10000x64xf32, #tpu.memory_space<vmem>>, %arg2: memref<10000x64xf32, #tpu.memory_space<vmem>>, %arg3: memref<10000x128xf32, #tpu.memory_space<vmem>>) attributes {dimension_semantics = [#tpu.dimension_semantics<arbitrary>], iteration_bounds = array<i64: 100>, scalar_prefetch = 0 : i64, scratch_operands = 0 : i64, tpu.core_type = #tpu.core_type<tc>, window_params = [{transform_indices = @transform_0, window_bounds = array<i64: 10000, 64>}, {transform_indices = @transform_1, window_bounds = array<i64: 10000, 64>}, {transform_indices = @transform_2, window_bounds = array<i64: 10000, 128>}]} {
    %get3A = arith.constant 0 : index
    %get3A_0 = arith.constant 0 : index
    %get3A_1 = vector.load %arg1[%get3A, %get3A_0] : memref<10000x64xf32, #tpu.memory_space<vmem>>, vector<10000x64xf32>
    %swap3A = arith.constant 0 : index
    %swap3A_2 = arith.constant 0 : index
    %swap3A_3 = vector.load %arg3[%swap3A, %swap3A_2] : memref<10000x128xf32, #tpu.memory_space<vmem>>, vector<10000x64xf32>
    tpu.vector_store %arg3[%swap3A, %swap3A_2], %get3A_1 {strides = array<i32>} : memref<10000x128xf32, #tpu.memory_space<vmem>>, vector<10000x64xf32>,
    %get3A_4 = arith.constant 0 : index
    %get3A_5 = arith.constant 0 : index
    %get3A_6 = vector.load %arg2[%get3A_4, %get3A_5] : memref<10000x64xf32, #tpu.memory_space<vmem>>, vector<10000x64xf32>
    %swap3A_7 = arith.constant 0 : index
    %swap3A_8 = arith.constant 64 : index
    %swap3A_9 = vector.load %arg3[%swap3A_7, %swap3A_8] : memref<10000x128xf32, #tpu.memory_space<vmem>>, vector<10000x64xf32>
    tpu.vector_store %arg3[%swap3A_7, %swap3A_8], %get3A_6 {strides = array<i32>} : memref<10000x128xf32, #tpu.memory_space<vmem>>, vector<10000x64xf32>,
    return
  }
  func.func @transform_0(%arg0: i32) -> (i32, i32) {
    %c0_i32 = arith.constant 0 : i32
    %c0_i32_0 = arith.constant 0 : i32
    return %arg0, %c0_i32 : i32, i32
  }
  func.func @transform_1(%arg0: i32) -> (i32, i32) {
    %c0_i32 = arith.constant 0 : i32
    %c0_i32_0 = arith.constant 0 : i32
    return %arg0, %c0_i32 : i32, i32
  }
  func.func @transform_2(%arg0: i32) -> (i32, i32) {
    %c0_i32 = arith.constant 0 : i32
    %c0_i32_0 = arith.constant 0 : i32
    return %arg0, %c0_i32 : i32, i32
  }
}

</mosaic_0001>

<sc_bundles>
// kernel: kernel.5.cloned.1.call-start
scs
__scs_entry_jumppad:
0x0: {  	(pc) =	sbr.rel $0x88, $3  }
0x1: {  	(tag) =	ssettag $0x0;
	lr =	simm.s32 $0x1  }
0x2: {  	[smem:$0x3F8D] =	sst lr;
	_ =	strace $0xD0000000  }
0x3: {  	_ = 	snop  }
0x4: {  	_ = 	snop  }
0x5: {  	_ = 	snop  }
0x6: {  	_ = 	snop  }
0x7: {  	_ = 	snop  }
__scs_overlays_trampoline_lowered:
0x8: {  	[smem:$0x3F9C] =	sst s0  }
0x9: {  	[smem:$0x3F9D] =	sst s1  }
0xa: {  	[smem:$0x3F9E] =	sst s2  }
0xb: {  	[smem:$0x3F9F] =	sst s3  }
0xc: {  	[smem:$0x3FA0] =	sst s4  }
0xd: {  	[smem:$0x3FA1] =	sst s5  }
0xe: {  	[smem:$0x3FA2] =	sst s6  }
0xf: {  	[smem:$0x3FA3] =	sst s7  }
0x10: {  	[smem:$0x3FA4] =	sst s8  }
0x11: {  	[smem:$0x3FA5] =	sst s9;
	s0 =	simm.s32 @!p0 $0x0  }
0x12: {  	s1 =	sld [smem:$0x3F8B];
	s0 =	simm.s32 @p0 $0x1  }
0x13: {  	[smem:$0x3FA6] =	sst s0;
	s0 =	simm.s32 @!p1 $0x0  }
0x14: {  	s2 =	sld [smem:$0x3F8A];
	s0 =	simm.s32 @p1 $0x1  }
0x15: {  	[smem:$0x3FA7] =	sst s0;
	s0 =	simm.s32 @!p2 $0x0  }
0x16: {  	s3 =	sld [smem:$0x3FDB];
	s0 =	simm.s32 @p2 $0x1  }
0x17: {  	s4 =	simm.s32 $0x1BF5;
	[smem:$0x3FA9] =	sst s0  }
0x18: {  	s0 =	sld [smem:$0x3F8C];
	_ =	swait.ge [sflag:s4], $0x0  }
0x19: {  	s7 =	sld [smem:$0x3F8D]  }
0x1a: {  	s8 =	sadd.s32 $0xFFFFE003, lr  }
0x1b: {  	s9 =	sadd.s32 $0xFFFFFEF7, lr;
	s5 =	simm.s32 $0xFFFFFFFF;
	p2 =	slt.u32 s8, $0xFFFFF086  }
0x1c: {  	p1 =	slt.u32 s9, $0xF7A;
	s5 =	simm.s32 @!p2 $0x0  }
0x1d: {  	s5 =	simm.s32 @p1 $0x1;
	p0 =	seq.s32 s7, s2  }
0x1e: {  	s7 =	smul.u32 @!p0 $0xF7A, s2;
	p2 =	seq.s32 @!p0 s5, $0x0  }
0x1f: {  	s9 =	smul.u32 $0xF7A, s1;
	s8 =	simm.s32 @!p0 $0x1BF5;
	p2 =	por !p2, p0  }
0x20: {  	[sflag:s8] =	ssyncset.s32 @!p0 $0xFFFFF086;
	s6 =	sadd.s32 @!p0 s3, s7;
	s7 =	simm.s32 @!p0 $0x108  }
0x21: {  	s3 =	sadd.s32 s3, s9;
	s6 =	sadd.s32 @!p0 $0x88, s6;
	s7 =	simm.s32 @p2 $0x1082  }
0x22: {  	[simem:s7], [sflag:s8] =	dma.local @!p0 [hbm:s6], $0xF7A  }
0x23: {  	s9 =	sor.u32 $0xD0000000, s2;
	s6 =	simm.s32 $0x108;
	_ =	swait.ge @!p0 [sflag:s8], $0x0  }
0x24: {  	s3 =	sadd.s32 $0x88, s3;
	s6 =	simm.s32 @!p1 $0x1082;
	[sflag:s4] =	ssyncset.s32 $0xFFFFF086  }
0x25: {  	[simem:s6], [sflag:s4] =	dma.local [hbm:s3], $0xF7A  }
0x26: {  	[smem:$0x3F8D] =	sst s1;
	(tag) =	ssettag s2;
	_ =	strace s9  }
0x27: {  	s1 =	sld [smem:$0x3F9D]  }
0x28: {  	s2 =	sld [smem:$0x3F9E]  }
0x29: {  	s4 =	sld [smem:$0x3FA0]  }
0x2a: {  	p0 =	seq.s32 s5, $0x0;
	s5 =	sld [smem:$0x3FA1]  }
0x2b: {  	s6 =	sld [smem:$0x3FA2]  }
0x2c: {  	s7 =	sld [smem:$0x3FA3]  }
0x2d: {  	s3 =	simm.s32 $0x108;
	s8 =	sld [smem:$0x3FA4]  }
0x2e: {  	s3 =	simm.s32 @!p0 $0x1082;
	s9 =	sld [smem:$0x3FA5]  }
0x2f: {  	lr =	sadd.s32 s0, s3;
	s0 =	sld [smem:$0x3F9C]  }
0x30: {  	s3 =	sld [smem:$0x3F9F]  }
0x31: {  	[smem:$0x3FA8] =	sst s10  }
0x32: {  	s10 =	sld [smem:$0x3FA6];
	_ =	sdelay $0x3  }
0x33: {  	p0 =	seq.s32 s10, $0x1;
	s10 =	sld [smem:$0x3FA8];
	_ =	sdelay $0x3  }
0x34: {  	[smem:$0x3FA8] =	sst s10  }
0x35: {  	s10 =	sld [smem:$0x3FA7];
	_ =	sdelay $0x3  }
0x36: {  	p1 =	seq.s32 s10, $0x1;
	s10 =	sld [smem:$0x3FA8];
	_ =	sdelay $0x3  }
0x37: {  	[smem:$0x3FA8] =	sst s10  }
0x38: {  	s10 =	sld [smem:$0x3FA9]  }
0x39: {  	_ = 	snop;
	(pc) =	sbr.ind lr, $3  }
0x3a: {  	_ = 	snop  }
0x3b: {  	_ = 	snop  }
0x3c: {  	p2 =	seq.s32 s10, $0x1;
	s10 =	sld [smem:$0x3FA8]  }
0x3d: {  	_ =	shalt  }
0x3e: {  	_ =	shalt  }
0x3f: {  	_ =	shalt  }
0x40: {  	_ =	shalt  }
0x41: {  	_ =	shalt  }
0x42: {  	_ =	shalt  }
0x43: {  	_ =	shalt  }
0x44: {  	_ =	shalt  }
0x45: {  	_ =	shalt  }
0x46: {  	_ =	shalt  }
0x47: {  	_ =	shalt  }
0x48: {  	_ =	shalt  }
0x49: {  	_ =	shalt  }
0x4a: {  	_ =	shalt  }
0x4b: {  	_ =	shalt  }
0x4c: {  	_ =	shalt  }
0x4d: {  	_ =	shalt  }
0x4e: {  	_ =	shalt  }
0x4f: {  	_ =	shalt  }
0x50: {  	_ =	shalt  }
0x51: {  	_ =	shalt  }
0x52: {  	_ =	shalt  }
0x53: {  	_ =	shalt  }
0x54: {  	_ =	shalt  }
0x55: {  	_ =	shalt  }
0x56: {  	_ =	shalt  }
0x57: {  	_ =	shalt  }
0x58: {  	_ =	shalt  }
0x59: {  	_ =	shalt  }
0x5a: {  	_ =	shalt  }
0x5b: {  	_ =	shalt  }
0x5c: {  	_ =	shalt  }
0x5d: {  	_ =	shalt  }
0x5e: {  	_ =	shalt  }
0x5f: {  	_ =	shalt  }
0x60: {  	_ =	shalt  }
0x61: {  	_ =	shalt  }
0x62: {  	_ =	shalt  }
0x63: {  	_ =	shalt  }
0x64: {  	_ =	shalt  }
0x65: {  	_ =	shalt  }
0x66: {  	_ =	shalt  }
0x67: {  	_ =	shalt  }
0x68: {  	_ =	shalt  }
0x69: {  	_ =	shalt  }
0x6a: {  	_ =	shalt  }
0x6b: {  	_ =	shalt  }
0x6c: {  	_ =	shalt  }
0x6d: {  	_ =	shalt  }
0x6e: {  	_ =	shalt  }
0x6f: {  	_ =	shalt  }
0x70: {  	_ =	shalt  }
0x71: {  	_ =	shalt  }
0x72: {  	_ =	shalt  }
0x73: {  	_ =	shalt  }
0x74: {  	_ =	shalt  }
0x75: {  	_ =	shalt  }
0x76: {  	_ =	shalt  }
0x77: {  	_ =	shalt  }
0x78: {  	_ =	shalt  }
0x79: {  	_ =	shalt  }
0x7a: {  	_ =	shalt  }
0x7b: {  	_ =	shalt  }
0x7c: {  	_ =	shalt  }
0x7d: {  	_ =	shalt  }
0x7e: {  	_ =	shalt  }
0x7f: {  	_ =	shalt  }
0x80: {  	_ =	shalt  }
0x81: {  	_ =	shalt  }
0x82: {  	_ =	shalt  }
0x83: {  	_ =	shalt  }
0x84: {  	_ =	shalt  }
0x85: {  	_ =	shalt  }
0x86: {  	_ =	shalt  }
0x87: {  	_ =	shalt  }
.Lfunc_end0:
.L_simem_size_0:
called_computation_lowered:
.L_overlay_start_0:
0x88: {  	s2 =	sld [smem:$0x3FD9]  }
0x89: {  	s3 =	sld [smem:$0x3FFE];
	_ =	sdelay $0x1  }
0x8a: {  	s1 =	srdreg.scid  }
0x8b: {  	s0 =	sand.u32 $0x1, s1  }
0x8c: {  	s16 =	sshll.u32 s0, $0xA;
	s2 =	sadd.s32 s3, s2  }
0x8d: {  	s2 =	sadd.s32 s2, s16  }
0x8e: {  	[smem:$0x3FB4] =	sst s2  }
0x8f: {  	_ = 	snop  }
0x90: {  	(tm) =	ssettm $0x1  }
0x91: {  	s17 =	sld [smem:$0x3FFB];
	_ =	sdelay $0x3  }
0x92: {  	_ =	strace s17  }
0x93: {  	s2 =	sld [smem:$0x3FFC];
	_ =	sdelay $0x3  }
0x94: {  	_ =	strace s2  }
0x95: {  	s2 =	sld [smem:$0x3FFD];
	_ =	sdelay $0x3  }
0x96: {  	_ =	strace s2  }
0x97: {  	_ =	strace $0x8FFFFFFF  }
0x98: {  	s18 =	sld [smem:$0x3FDB];
	_ =	sdelay $0x1  }
0x99: {  	s19 =	simm.s32 $_scs_section_size  }
0x9a: {  	s4 =	simm.s32 $_size__tile_overlayer_lowered;
	s5 =	simm.s32 $_tile_overlayer_lowered  }
0x9b: {  	s22 =	simm.s32 $0x1BFF;
	s21 =	sshll.u32 s5, $0x1;
	s2 =	sadd.s32 s19, s18  }
0x9c: {  	s6 =	simm.s32 $0x0;
	s20 =	sshll.u32 s4, $0x1;
	s4 =	sadd.s32 s21, s2  }
0x9d: {  	[timem:s6], [sflag:s22] =	dma.local [hbm:s4], s20  }
0x9e: {  	_ =	swait.ge [sflag:s22], s20  }
0x9f: {  	s3 =	ssub.s32 $0x0, s20;
	[sflag:s22] =	ssyncset.done $0x0  }
0xa0: {  	[sflag:s22] =	ssyncadd.s32 s3;
	_ =	sdelay $0x1  }
0xa1: {  	s23 =	simm.s32 $0x1B8B  }
0xa2: {  	_ =	swait.ge [sflag:s23], $0x1  }
0xa3: {  	[sflag:s23] =	ssyncset.done $0x0  }
0xa4: {  	s25 =	simm.s32 $0x1B8E;
	s24 =	sld [smem:$0x3FFE];
	[sflag:s23] =	ssyncadd.s32 $0xFFFFFFFF  }
0xa5: {  	s26 =	simm.s32 $execute0_lowered;
	[smem:$0x3FD2] =	sst s25  }
0xa6: {  	s4 =	sshll.u32 s26, $0x1;
	_ =	strace $0x80000046;
	[dreg:$0x1] =	wrdreg $0xFFFFFFFF  }
0xa7: {  	s28 =	simm.s32 $_size_execute0_lowered;
	s2 =	sadd.s32 s2, s4;
	[dreg:$0x0] =	wrdreg $0x0  }
0xa8: {  	s4 =	sshll.u32 s28, $0x1;
	[dreg:$0x2] =	wrdreg s2  }
0xa9: {  	[dreg:$0x3] =	wrdreg s4  }
0xaa: {  	[dreg:$0x4] =	wrdreg $0xC0  }
0xab: {  	_ =	task [dreg:s6], $0x5FFFF  }
0xac: {  	[dreg:$0x1] =	wrdreg $0xFFFFFFFF  }
0xad: {  	[dreg:$0x0] =	wrdreg $0x60  }
0xae: {  	[dreg:$0x2] =	wrdreg s24  }
0xaf: {  	[dreg:$0x3] =	wrdreg $0x9  }
0xb0: {  	_ =	task.clear_ibuf [dreg:s6], $0x4FFFF;
	_ =	strace $0x90000046  }
0xb1: {  	s29 =	simm.s32 $0x9;
	_ =	strace $0x80000048  }
0xb2: {  	_ =	swait.ge [sflag:s29], $0x1  }
0xb3: {  	[sflag:s29] =	ssyncadd.s32 $0xFFFFFFFF  }
0xb4: {  	_ =	strace $0x90000048  }
0xb5: {  	_ =	sfence  }
0xb6: {  	s30 =	sld [smem:$0x0];
	_ =	sdelay $0x2  }
0xb7: {  	s31 =	sshll.u32 s1, $0xD;
	s1 =	sshrl.u32 s1, $0x2  }
0xb8: {  	s3 =	sand.u32 $0x4000, s31;
	s1 =	sadd.s32 s1, s30  }
0xb9: {  	s0 =	sor.u32 s3, s0;
	s1 =	sshll.u32 s1, $0x11  }
0xba: {  	s0 =	sor.u32 s1, s0  }
0xbb: {  	s0 =	sadd.s32 $0x8F2B, s0  }
0xbc: {  	[sflag:s0] =	ssyncadd.remote.s32 $0x1  }
0xbd: {  	_ =	sfence.sel $0xFFFF  }
0xbe: {  	[dreg:$0x0] =	wrdreg $0xFFFFFFFF;
	(pc) =	sbr.abs _section_cstart, $3  }
0xbf: {  	[dreg:$0x1] =	wrdreg $0xFFFFFFFF  }
0xc0: {  	_ =	task.clear_ibuf [dreg:s6], $0x2FFFF;
	_ =	strace $0x9FFFFFFF  }
0xc1: {  	(tm) =	ssettm $0x7FFFFFFF  }
tec
execute0_lowered:
.L_overlay_start_1:
0x0: {  	(tag) =	ssettag $0x1  }
0x1: {  	s1 =	srdreg.scid  }
0x2: {  	s0 =	stileid.u32;
	s25 =	sand.u32 $0x1, s1  }
0x3: {  	s31 =	sshll.u32 s0, $0xB;
	s2 =	sshll.u32 s25, $0xA  }
0x4: {  	s10 =	sor.u32 s2, s31  }
0x5: {  	s9 =	rddreg [dreg:$0x0];
	s2 =	simm.s32 $0x0;
	s3 =	sshrl.u32 s10, $0x3  }
0x6: {  	s4 =	simm.s32 $0x3;
	[smem:$0x7FF] =	sst s2;
	s3 =	sadd.s32 s3, s9  }
0x7: {  	s1 =	rddreg [dreg:$0x1];
	_ =	strace $0x80000047;
	s3 =	sadd.s32 $0x2200, s3  }
0x8: {  	[tilespmem:s2], [sflag:$0x3] =	stream.linear.gather [hbm4b:s3+s2], $0x400, $0x38;
	[tilespmem:$0x8400] =	vst v63  }
0x9: {  	_ =	swait.ge [sflag:s4], $0x400  }
0xa: {  	s6 =	simm.s32 $0x80;
	s8 =	simm.s32 $0x400;
	[sflag:s4] =	ssyncset.done $0x0  }
0xb: {  	s7 =	simm.s32 $0x1;
	s5 =	sadd.s32 $0x1E86A00, s9;
	[sflag:s4] =	ssyncadd.s32 $0xFFFFFC00  }
0xc: {  	[tilespmem:s8], [sflag:$0x1] =	stream.indirect.gather [hbm4b:s5+s6], $0x80, s2, s6, $0xb8;
	[tilespmem:$0x8400] =	vst v63  }
0xd: {  	s10 =	sshll.u32 s10, $0x4;
	_ =	swait.ge [sflag:s7], $0x4000  }
0xe: {  	s24 =	sadd.s32 s10, s9;
	[sflag:s7] =	ssyncset.done $0x0  }
0xf: {  	s9 =	sadd.s32 $0x3200, s24;
	[sflag:s7] =	ssyncadd.s32 $0xFFFFC000  }
0x10: {  	[hbm4b:s9+s2] =	stream.linear.scatter [tilespmem:s8], [sflag:$0x1], $0x4000, $0x38;
	[tilespmem:$0x8400] =	vst v63  }
0x11: {  	s10 =	simm.s32 $0x4400  }
0x12: {  	[tilespmem:s10], [sflag:$0x2] =	stream.indirect.gather [hbm4b:s5+s6], $0x80, s6, s6, $0xb8;
	[tilespmem:$0x8400] =	vst v63  }
0x13: {  	_ =	swait.ge [sflag:s7], $0x4000  }
0x14: {  	[sflag:s7] =	ssyncset.done $0x0  }
0x15: {  	s11 =	simm.s32 $0x2;
	[sflag:s7] =	ssyncadd.s32 $0xFFFFC000  }
0x16: {  	_ =	swait.ge [sflag:s11], $0x4000  }
0x17: {  	[sflag:s11] =	ssyncset.done $0x0  }
0x18: {  	s12 =	sadd.s32 $0x3A00, s24;
	[sflag:s11] =	ssyncadd.s32 $0xFFFFC000  }
0x19: {  	[hbm4b:s12+s2] =	stream.linear.scatter [tilespmem:s10], [sflag:$0x2], $0x4000, $0x38;
	[tilespmem:$0x8400] =	vst v63  }
0x1a: {  	s13 =	simm.s32 $0x100  }
0x1b: {  	[tilespmem:s8], [sflag:$0x1] =	stream.indirect.gather [hbm4b:s5+s6], $0x80, s13, s6, $0xb8;
	[tilespmem:$0x8400] =	vst v63  }
0x1c: {  	_ =	swait.ge [sflag:s11], $0x4000  }
0x1d: {  	[sflag:s11] =	ssyncset.done $0x0  }
0x1e: {  	[sflag:s11] =	ssyncadd.s32 $0xFFFFC000  }
0x1f: {  	_ =	swait.ge [sflag:s7], $0x4000  }
0x20: {  	[sflag:s7] =	ssyncset.done $0x0  }
0x21: {  	s14 =	sadd.s32 $0x4200, s24;
	[sflag:s7] =	ssyncadd.s32 $0xFFFFC000  }
0x22: {  	[hbm4b:s14+s2] =	stream.linear.scatter [tilespmem:s8], [sflag:$0x1], $0x4000, $0x38;
	[tilespmem:$0x8400] =	vst v63  }
0x23: {  	s15 =	simm.s32 $0x180  }
0x24: {  	[tilespmem:s10], [sflag:$0x2] =	stream.indirect.gather [hbm4b:s5+s6], $0x80, s15, s6, $0xb8;
	[tilespmem:$0x8400] =	vst v63  }
0x25: {  	_ =	swait.ge [sflag:s7], $0x4000  }
0x26: {  	[sflag:s7] =	ssyncset.done $0x0  }
0x27: {  	[sflag:s7] =	ssyncadd.s32 $0xFFFFC000  }
0x28: {  	_ =	swait.ge [sflag:s11], $0x4000  }
0x29: {  	[sflag:s11] =	ssyncset.done $0x0  }
0x2a: {  	s16 =	sadd.s32 $0x4A00, s24;
	[sflag:s11] =	ssyncadd.s32 $0xFFFFC000  }
0x2b: {  	[hbm4b:s16+s2] =	stream.linear.scatter [tilespmem:s10], [sflag:$0x2], $0x4000, $0x38;
	[tilespmem:$0x8400] =	vst v63  }
0x2c: {  	s17 =	simm.s32 $0x200  }
0x2d: {  	[tilespmem:s8], [sflag:$0x1] =	stream.indirect.gather [hbm4b:s5+s6], $0x80, s17, s6, $0xb8;
	[tilespmem:$0x8400] =	vst v63  }
0x2e: {  	_ =	swait.ge [sflag:s11], $0x4000  }
0x2f: {  	[sflag:s11] =	ssyncset.done $0x0  }
0x30: {  	[sflag:s11] =	ssyncadd.s32 $0xFFFFC000  }
0x31: {  	_ =	swait.ge [sflag:s7], $0x4000  }
0x32: {  	[sflag:s7] =	ssyncset.done $0x0  }
0x33: {  	s18 =	sadd.s32 $0x5200, s24;
	[sflag:s7] =	ssyncadd.s32 $0xFFFFC000  }
0x34: {  	[hbm4b:s18+s2] =	stream.linear.scatter [tilespmem:s8], [sflag:$0x1], $0x4000, $0x38;
	[tilespmem:$0x8400] =	vst v63  }
0x35: {  	s19 =	simm.s32 $0x280  }
0x36: {  	[tilespmem:s10], [sflag:$0x2] =	stream.indirect.gather [hbm4b:s5+s6], $0x80, s19, s6, $0xb8;
	[tilespmem:$0x8400] =	vst v63  }
0x37: {  	_ =	swait.ge [sflag:s7], $0x4000  }
0x38: {  	[sflag:s7] =	ssyncset.done $0x0  }
0x39: {  	[sflag:s7] =	ssyncadd.s32 $0xFFFFC000  }
0x3a: {  	_ =	swait.ge [sflag:s11], $0x4000  }
0x3b: {  	[sflag:s11] =	ssyncset.done $0x0  }
0x3c: {  	s20 =	sadd.s32 $0x5A00, s24;
	[sflag:s11] =	ssyncadd.s32 $0xFFFFC000  }
0x3d: {  	[hbm4b:s20+s2] =	stream.linear.scatter [tilespmem:s10], [sflag:$0x2], $0x4000, $0x38;
	[tilespmem:$0x8400] =	vst v63  }
0x3e: {  	s21 =	simm.s32 $0x300  }
0x3f: {  	[tilespmem:s8], [sflag:$0x1] =	stream.indirect.gather [hbm4b:s5+s6], $0x80, s21, s6, $0xb8;
	[tilespmem:$0x8400] =	vst v63  }
0x40: {  	_ =	swait.ge [sflag:s11], $0x4000  }
0x41: {  	[sflag:s11] =	ssyncset.done $0x0  }
0x42: {  	[sflag:s11] =	ssyncadd.s32 $0xFFFFC000  }
0x43: {  	_ =	swait.ge [sflag:s7], $0x4000  }
0x44: {  	[sflag:s7] =	ssyncset.done $0x0  }
0x45: {  	s22 =	sadd.s32 $0x6200, s24;
	[sflag:s7] =	ssyncadd.s32 $0xFFFFC000  }
0x46: {  	[hbm4b:s22+s2] =	stream.linear.scatter [tilespmem:s8], [sflag:$0x1], $0x4000, $0x38;
	[tilespmem:$0x8400] =	vst v63  }
0x47: {  	s23 =	simm.s32 $0x380  }
0x48: {  	[tilespmem:s10], [sflag:$0x2] =	stream.indirect.gather [hbm4b:s5+s6], $0x80, s23, s6, $0xb8;
	[tilespmem:$0x8400] =	vst v63  }
0x49: {  	_ =	swait.ge [sflag:s7], $0x4000  }
0x4a: {  	[sflag:s7] =	ssyncset.done $0x0  }
0x4b: {  	s25 =	ssub.s32 $0x2, s25;
	[sflag:s7] =	ssyncadd.s32 $0xFFFFC000  }
0x4c: {  	s26 =	sshrl.u32 s25, $0x1;
	_ =	swait.ge [sflag:s11], $0x4000  }
0x4d: {  	s25 =	ssub.s32 s25, s26;
	[sflag:s11] =	ssyncset.done $0x0  }
0x4e: {  	s25 =	smax.u32 s25, $0x1;
	s24 =	sadd.s32 $0x6A00, s24;
	[sflag:s11] =	ssyncadd.s32 $0xFFFFC000  }
0x4f: {  	[hbm4b:s24+s2] =	stream.linear.scatter [tilespmem:s10], [sflag:$0x2], $0x4000, $0x38;
	[tilespmem:$0x8400] =	vst v63  }
0x50: {  	p0 =	sne.s32 s25, $0x1  }
0x51: {  	[tilespmem:s8], [sflag:$0x1] =	stream.indirect.gather [hbm4b:s5+s6], $0x80, s2, s6, $0xb8;
	[tilespmem:$0x8400] =	vst v63  }
.Ltmp0:
0x52: {  	_ =	swait.ge [sflag:s11], $0x4000;
	(pc) =	sbr.rel @!p0 .LBB2_2-.Ltmp0, $4  }
0x53: {  	[sflag:s11] =	ssyncset.done $0x0  }
0x54: {  	[sflag:s11] =	ssyncadd.s32 $0xFFFFC000  }
0x55: {  	_ =	swait.ge [sflag:s7], $0x4000  }
0x56: {  	s25 =	sadd.s32 $0xFFFFFFFF, s25;
	[sflag:s7] =	ssyncset.done $0x0  }
.LBB2_1:
0x57: {  	p0 =	sne.s32 s25, $0x1;
	s25 =	sadd.s32 $0xFFFFFFFF, s25;
	[sflag:s7] =	ssyncadd.s32 $0xFFFFC000  }
0x58: {  	[tilespmem:s2], [sflag:$0x3] =	stream.linear.gather [hbm4b:s3+s2], $0x400, $0x38;
	[tilespmem:$0x8400] =	vst v63  }
0x59: {  	_ =	swait.ge [sflag:s4], $0x400  }
0x5a: {  	[sflag:s4] =	ssyncset.done $0x0  }
0x5b: {  	[sflag:s4] =	ssyncadd.s32 $0xFFFFFC00  }
0x5c: {  	[tilespmem:s8], [sflag:$0x1] =	stream.indirect.gather [hbm4b:s5+s6], $0x80, s2, s6, $0xb8;
	[tilespmem:$0x8400] =	vst v63  }
0x5d: {  	_ =	swait.ge [sflag:s7], $0x4000  }
0x5e: {  	[sflag:s7] =	ssyncset.done $0x0  }
0x5f: {  	[sflag:s7] =	ssyncadd.s32 $0xFFFFC000  }
0x60: {  	[hbm4b:s9+s2] =	stream.linear.scatter [tilespmem:s8], [sflag:$0x1], $0x4000, $0x38;
	[tilespmem:$0x8400] =	vst v63  }
0x61: {  	_ = 	snop  }
0x62: {  	[tilespmem:s10], [sflag:$0x2] =	stream.indirect.gather [hbm4b:s5+s6], $0x80, s6, s6, $0xb8;
	[tilespmem:$0x8400] =	vst v63  }
0x63: {  	_ =	swait.ge [sflag:s7], $0x4000  }
0x64: {  	[sflag:s7] =	ssyncset.done $0x0  }
0x65: {  	[sflag:s7] =	ssyncadd.s32 $0xFFFFC000  }
0x66: {  	_ =	swait.ge [sflag:s11], $0x4000  }
0x67: {  	[sflag:s11] =	ssyncset.done $0x0  }
0x68: {  	[sflag:s11] =	ssyncadd.s32 $0xFFFFC000  }
0x69: {  	[hbm4b:s12+s2] =	stream.linear.scatter [tilespmem:s10], [sflag:$0x2], $0x4000, $0x38;
	[tilespmem:$0x8400] =	vst v63  }
0x6a: {  	_ = 	snop  }
0x6b: {  	[tilespmem:s8], [sflag:$0x1] =	stream.indirect.gather [hbm4b:s5+s6], $0x80, s13, s6, $0xb8;
	[tilespmem:$0x8400] =	vst v63  }
0x6c: {  	_ =	swait.ge [sflag:s11], $0x4000  }
0x6d: {  	[sflag:s11] =	ssyncset.done $0x0  }
0x6e: {  	[sflag:s11] =	ssyncadd.s32 $0xFFFFC000  }
0x6f: {  	_ =	swait.ge [sflag:s7], $0x4000  }
0x70: {  	[sflag:s7] =	ssyncset.done $0x0  }
0x71: {  	[sflag:s7] =	ssyncadd.s32 $0xFFFFC000  }
0x72: {  	[hbm4b:s14+s2] =	stream.linear.scatter [tilespmem:s8], [sflag:$0x1], $0x4000, $0x38;
	[tilespmem:$0x8400] =	vst v63  }
0x73: {  	_ = 	snop  }
0x74: {  	[tilespmem:s10], [sflag:$0x2] =	stream.indirect.gather [hbm4b:s5+s6], $0x80, s15, s6, $0xb8;
	[tilespmem:$0x8400] =	vst v63  }
0x75: {  	_ =	swait.ge [sflag:s7], $0x4000  }
0x76: {  	[sflag:s7] =	ssyncset.done $0x0  }
0x77: {  	[sflag:s7] =	ssyncadd.s32 $0xFFFFC000  }
0x78: {  	_ =	swait.ge [sflag:s11], $0x4000  }
0x79: {  	[sflag:s11] =	ssyncset.done $0x0  }
0x7a: {  	[sflag:s11] =	ssyncadd.s32 $0xFFFFC000  }
0x7b: {  	[hbm4b:s16+s2] =	stream.linear.scatter [tilespmem:s10], [sflag:$0x2], $0x4000, $0x38;
	[tilespmem:$0x8400] =	vst v63  }
0x7c: {  	_ = 	snop  }
0x7d: {  	[tilespmem:s8], [sflag:$0x1] =	stream.indirect.gather [hbm4b:s5+s6], $0x80, s17, s6, $0xb8;
	[tilespmem:$0x8400] =	vst v63  }
0x7e: {  	_ =	swait.ge [sflag:s11], $0x4000  }
0x7f: {  	[sflag:s11] =	ssyncset.done $0x0  }
0x80: {  	[sflag:s11] =	ssyncadd.s32 $0xFFFFC000  }
0x81: {  	_ =	swait.ge [sflag:s7], $0x4000  }
0x82: {  	[sflag:s7] =	ssyncset.done $0x0  }
0x83: {  	[sflag:s7] =	ssyncadd.s32 $0xFFFFC000  }
0x84: {  	[hbm4b:s18+s2] =	stream.linear.scatter [tilespmem:s8], [sflag:$0x1], $0x4000, $0x38;
	[tilespmem:$0x8400] =	vst v63  }
0x85: {  	_ = 	snop  }
0x86: {  	[tilespmem:s10], [sflag:$0x2] =	stream.indirect.gather [hbm4b:s5+s6], $0x80, s19, s6, $0xb8;
	[tilespmem:$0x8400] =	vst v63  }
0x87: {  	_ =	swait.ge [sflag:s7], $0x4000  }
0x88: {  	[sflag:s7] =	ssyncset.done $0x0  }
0x89: {  	[sflag:s7] =	ssyncadd.s32 $0xFFFFC000  }
0x8a: {  	_ =	swait.ge [sflag:s11], $0x4000  }
0x8b: {  	[sflag:s11] =	ssyncset.done $0x0  }
0x8c: {  	[sflag:s11] =	ssyncadd.s32 $0xFFFFC000  }
0x8d: {  	[hbm4b:s20+s2] =	stream.linear.scatter [tilespmem:s10], [sflag:$0x2], $0x4000, $0x38;
	[tilespmem:$0x8400] =	vst v63  }
0x8e: {  	_ = 	snop  }
0x8f: {  	[tilespmem:s8], [sflag:$0x1] =	stream.indirect.gather [hbm4b:s5+s6], $0x80, s21, s6, $0xb8;
	[tilespmem:$0x8400] =	vst v63  }
0x90: {  	_ =	swait.ge [sflag:s11], $0x4000  }
0x91: {  	[sflag:s11] =	ssyncset.done $0x0  }
0x92: {  	[sflag:s11] =	ssyncadd.s32 $0xFFFFC000  }
0x93: {  	_ =	swait.ge [sflag:s7], $0x4000  }
0x94: {  	[sflag:s7] =	ssyncset.done $0x0  }
0x95: {  	[sflag:s7] =	ssyncadd.s32 $0xFFFFC000  }
0x96: {  	[hbm4b:s22+s2] =	stream.linear.scatter [tilespmem:s8], [sflag:$0x1], $0x4000, $0x38;
	[tilespmem:$0x8400] =	vst v63  }
0x97: {  	_ = 	snop  }
0x98: {  	[tilespmem:s10], [sflag:$0x2] =	stream.indirect.gather [hbm4b:s5+s6], $0x80, s23, s6, $0xb8;
	[tilespmem:$0x8400] =	vst v63  }
0x99: {  	_ =	swait.ge [sflag:s7], $0x4000  }
0x9a: {  	[sflag:s7] =	ssyncset.done $0x0  }
0x9b: {  	[sflag:s7] =	ssyncadd.s32 $0xFFFFC000  }
0x9c: {  	_ =	swait.ge [sflag:s11], $0x4000  }
0x9d: {  	[sflag:s11] =	ssyncset.done $0x0  }
0x9e: {  	[sflag:s11] =	ssyncadd.s32 $0xFFFFC000  }
0x9f: {  	[hbm4b:s24+s2] =	stream.linear.scatter [tilespmem:s10], [sflag:$0x2], $0x4000, $0x38;
	[tilespmem:$0x8400] =	vst v63  }
0xa0: {  	_ = 	snop  }
0xa1: {  	[tilespmem:s8], [sflag:$0x1] =	stream.indirect.gather [hbm4b:s5+s6], $0x80, s2, s6, $0xb8;
	[tilespmem:$0x8400] =	vst v63  }
.Ltmp1:
0xa2: {  	_ =	swait.ge [sflag:s11], $0x4000;
	(pc) =	sbr.rel @p0 .LBB2_1-.Ltmp1, $4  }
0xa3: {  	[sflag:s11] =	ssyncset.done $0x0  }
0xa4: {  	[sflag:s11] =	ssyncadd.s32 $0xFFFFC000  }
0xa5: {  	_ =	swait.ge [sflag:s7], $0x4000  }
0xa6: {  	[sflag:s7] =	ssyncset.done $0x0  }
.LBB2_2:
0xa7: {  	[sflag:s7] =	ssyncadd.s32 $0xFFFFC000  }
0xa8: {  	_ =	sfence.sel $0x180000  }
0xa9: {  	[bflag:$0x0] =	sbarrier.arrive $0xFFFF  }
0xaa: {  	p0 =	sne.s32 s0, $0x0;
	_ =	strace $0x90000047  }
0xab: {  	s0 =	sadd.s32 @!p0 $0x100000, s1;
	[bflag:$0x2] =	sbarrier.arrive $0xFFFF  }
0xac: {  	[sflag:s0] =	ssyncadd.tile.s32 @!p0 $0x1;
	_ =	shalt  }
.Lfunc_end2:
_tile_overlayer_lowered:
.L_overlay_start_2:
0xad: {  	(tag) =	ssettag $0x2  }
0xae: {  	s0 =	rddreg [dreg:$0x0];
	s2 =	stileid.u32  }
0xaf: {  	s1 =	rddreg [dreg:$0x1];
	p0 =	sne.s32 s2, $0x0  }
0xb0: {  	s3 =	rddreg [dreg:$0x2];
	[bflag:$0x3] =	sbarrier.arrive $0xFFFF;
	s2 =	simm.s32 @!p0 $0x1C03  }
0xb1: {  	[timem:s3], [sflag:s2] =	dma.local @!p0 [hbm:s0], s1  }
0xb2: {  	s0 =	simm.s32 @!p0 $0x3  }
0xb3: {  	_ =	swait.ge @!p0 [sflag:s0], s1  }
0xb4: {  	s1 =	ssub.s32 @!p0 $0x0, s1;
	[sflag:s0] =	ssyncset.done @!p0 $0x0  }
0xb5: {  	[sflag:s0] =	ssyncadd.s32 @!p0 s1  }
0xb6: {  	[bflag:$0x3] =	sbarrier.arrive $0xFFFF  }
0xb7: {  	_ =	shalt  }

</sc_bundles>
